<compile_context>
chip_gen: v7x
topology: tpu7x:2x2x1
jax: 0.10.2.dev20260603
libtpu: 0.0.44.dev20260713+nightly
codegen_flags: <defaults>
</compile_context>

<pallas_src>
import functools

import jax
import jax.numpy as jnp
from jax import lax
from jax.experimental import pallas as pl
from jax.experimental.pallas import tpu as pltpu
from jax.experimental.pallas import tpu_sc as plsc

_NUM_CLASSES = 1000
_PAD_CLASSES = 1024
_TEMPERATURE = 0.05
_EPS = 1e-12


def _loss_block(emb_ref, w_ref, lab_ref, out_ref):
    w = w_ref[...]
    wn = jnp.concatenate(
        [
            w * (
                (1.0 / _TEMPERATURE)
                / (jnp.sqrt(jnp.sum(w * w, axis=1, keepdims=True)) + _EPS)
            ),
            jnp.zeros((_PAD_CLASSES - _NUM_CLASSES, w.shape[1]), jnp.float32),
        ],
        axis=0,
    )

    e = emb_ref[...]
    en = e / (jnp.sqrt(jnp.sum(e * e, axis=1, keepdims=True)) + _EPS)

    logits = lax.dot_general(
        en, wn, (((1,), (1,)), ((), ())), preferred_element_type=jnp.float32
    )

    col = lax.broadcasted_iota(jnp.int32, logits.shape, 1)
    mask = (col < _NUM_CLASSES).astype(jnp.float32)
    s = jnp.sum(jnp.exp(logits) * mask, axis=1)
    lse = jnp.log(s)

    lab = lab_ref[0, 0, :]
    picked = jnp.sum(jnp.where(col == lab[:, None], logits, 0.0), axis=1)

    loss = jnp.sum(lse - picked) * (1.0 / e.shape[0])
    out_ref[...] = loss.reshape(1, 1)


def _loss_tc(embeddings, labels_i32, W):
    b, d = embeddings.shape
    labs3 = labels_i32.reshape(1, 1, b)
    out = pl.pallas_call(
        _loss_block,
        in_specs=[
            pl.BlockSpec((b, d), lambda: (0, 0)),
            pl.BlockSpec((_NUM_CLASSES, d), lambda: (0, 0)),
            pl.BlockSpec((1, 1, b), lambda: (0, 0, 0)),
        ],
        out_specs=pl.BlockSpec((1, 1), lambda: (0, 0)),
        out_shape=jax.ShapeDtypeStruct((1, 1), jnp.float32),
    )(embeddings, W, labs3)
    return out[0, 0]


def _labels_sc(labels_i32):
    b = labels_i32.shape[0]
    info = plsc.get_sparse_core_info()
    nw = info.num_cores * info.num_subcores
    per = b // nw
    mesh = plsc.VectorSubcoreMesh(core_axis_name="c", subcore_axis_name="s")

    @functools.partial(
        pl.kernel,
        mesh=mesh,
        out_type=jax.ShapeDtypeStruct((2 * b,), jnp.int32),
        scratch_types=[pltpu.VMEM((per,), jnp.int32)],
    )
    def k(lab_hbm, out_hbm, buf):
        wid = lax.axis_index("s") * info.num_cores + lax.axis_index("c")
        base = wid * per
        pltpu.sync_copy(lab_hbm.at[pl.ds(base, per)], buf)
        pltpu.sync_copy(buf, out_hbm.at[pl.ds(base, per)])
        pltpu.sync_copy(buf, out_hbm.at[pl.ds(b + base, per)])

    return k(labels_i32)


def kernel(embeddings, labels, W):
    labels_i32 = labels.astype(jnp.int32)
    loss = _loss_tc(embeddings, labels_i32, W)
    combined_labels = _labels_sc(labels_i32).astype(labels.dtype)
    return (loss, combined_labels)

# --- scband reference (transcript-rebuilt; emitter-appended) ---
"""Pipeline reference for scband-cross-batch-memory-13271448945015 (READ-ONLY COPY).

The authoritative reference and input builder live on the scoring server;
editing this copy changes nothing except your own understanding.
"""

import jax, jax.numpy as jnp
import numpy as np

MEMORY_SIZE = 65536
EMBED_DIM = 64
NUM_CLASSES = 1000
BATCH = 4096
TEMPERATURE = 0.05


def _l2norm(x, eps=1e-12):
    return x / (jnp.linalg.norm(x, axis=-1, keepdims=True) + eps)


def setup_inputs(seed: int = 0) -> dict:
    key = jax.random.key(seed)
    k1, k2, k3 = jax.random.split(key, 3)
    embeddings = jax.random.normal(k1, (BATCH, EMBED_DIM), dtype=jnp.float32)
    labels = jax.random.randint(k2, (BATCH,), 0, NUM_CLASSES).astype(jnp.int64)
    # learned parameter of the NormalizedSoftmax loss (class proxy matrix)
    W = jax.random.normal(k3, (NUM_CLASSES, EMBED_DIM), dtype=jnp.float32) * 0.05
    return {"embeddings": embeddings, "labels": labels, "W": W}


def reference(embeddings, labels, W):
    B = embeddings.shape[0]
    # ---- add_to_memory (fresh module: queue_idx=0, has_been_filled=False) ----
    # end_idx = (0 + B - 1) % MEMORY_SIZE + 1 = B  (contiguous write, detached)
    embedding_memory = jnp.zeros((MEMORY_SIZE, EMBED_DIM), dtype=jnp.float32)
    label_memory = jnp.zeros((MEMORY_SIZE,), dtype=labels.dtype)
    embedding_memory = embedding_memory.at[0:B].set(jax.lax.stop_gradient(embeddings))
    label_memory = label_memory.at[0:B].set(jax.lax.stop_gradient(labels))
    queue_idx = B % MEMORY_SIZE  # = B, memory not yet filled
    # ---- slice un-filled memory ----
    E_mem = embedding_memory[:queue_idx]
    L_mem = label_memory[:queue_idx]
    combined_embeddings = jnp.concatenate([embeddings, E_mem], axis=0)
    combined_labels = jnp.concatenate([labels, L_mem], axis=0)
    # ---- NormalizedSoftmax loss (cosine logits against class proxies) ----
    logits = _l2norm(combined_embeddings) @ _l2norm(W).T / TEMPERATURE
    log_probs = jax.nn.log_softmax(logits, axis=-1)
    n = combined_embeddings.shape[0]
    loss = -jnp.mean(log_probs[jnp.arange(n), combined_labels])
    return (loss, combined_labels)

if __name__ == "__main__":
    import jax
    _d = setup_inputs()
    print(jax.jit(kernel)(*tuple(_d.values())))

</pallas_src>

<mosaic_0001>
#map = affine_map<(d0, d1) -> (0)>
module attributes {stable_mosaic.version = 14 : i64} {
  func.func @k(%arg0: i32, %arg1: i32, %arg2: memref<4096xi32, #tpu.memory_space<hbm>>, %arg3: memref<8192xi32, #tpu.memory_space<hbm>>, %arg4: memref<128xi32, #tpu.memory_space<vmem>>) attributes {dimension_semantics = [#tpu.dimension_semantics<core_parallel>, #tpu.dimension_semantics<subcore_parallel>], iteration_bounds = array<i64: 2, 16>, scalar_prefetch = 0 : i64, scratch_operands = 1 : i64, tpu.core_type = #tpu.core_type<sc_vector_subcore>, window_params = [{transform_indices = #map}, {transform_indices = #map}]} {
    %mul3A = arith.constant 2 : i32
    %mul3A_0 = arith.muli %arg1, %mul3A : i32
    %add3A = arith.addi %mul3A_0, %arg0 : i32
    %mul3A_1 = arith.constant 128 : i32
    %mul3A_2 = arith.muli %add3A, %mul3A_1 : i32
    "tpu.region"() ({
      %run_scoped3A = tpu.sem_alloc : memref<!tpu.dma_semaphore, #tpu.memory_space<semaphore_mem>>
      %dma_start3A = tpu.memref_slice %arg2[%mul3A_2] : memref<4096xi32, #tpu.memory_space<hbm>> -> memref<128xi32, #tpu.memory_space<hbm>>
      %dma_start3A_5 = tpu.memref_slice %arg2[%mul3A_2] : memref<4096xi32, #tpu.memory_space<hbm>> -> memref<128xi32, #tpu.memory_space<hbm>>
      tpu.enqueue_dma source(%dma_start3A_5 : memref<128xi32, #tpu.memory_space<hbm>>) target(%arg4 : memref<128xi32, #tpu.memory_space<vmem>>) target_semaphore(%run_scoped3A : memref<!tpu.dma_semaphore, #tpu.memory_space<semaphore_mem>>)
      %dma_wait3A = tpu.memref_slice %arg2[%mul3A_2] : memref<4096xi32, #tpu.memory_space<hbm>> -> memref<128xi32, #tpu.memory_space<hbm>>
      %dma_wait3A_6 = tpu.memref_slice %arg2[%mul3A_2] : memref<4096xi32, #tpu.memory_space<hbm>> -> memref<128xi32, #tpu.memory_space<hbm>>
      tpu.wait_dma2 semaphore(%run_scoped3A : memref<!tpu.dma_semaphore, #tpu.memory_space<semaphore_mem>>) src(%dma_wait3A_6 : memref<128xi32, #tpu.memory_space<hbm>>) dst(%arg4 : memref<128xi32, #tpu.memory_space<vmem>>)
      tpu.yield
    }) : () -> ()
    "tpu.region"() ({
      %run_scoped3A = tpu.sem_alloc : memref<!tpu.dma_semaphore, #tpu.memory_space<semaphore_mem>>
      %dma_start3A = tpu.memref_slice %arg3[%mul3A_2] : memref<8192xi32, #tpu.memory_space<hbm>> -> memref<128xi32, #tpu.memory_space<hbm>>
      %dma_start3A_5 = tpu.memref_slice %arg3[%mul3A_2] : memref<8192xi32, #tpu.memory_space<hbm>> -> memref<128xi32, #tpu.memory_space<hbm>>
      tpu.enqueue_dma source(%arg4 : memref<128xi32, #tpu.memory_space<vmem>>) target(%dma_start3A_5 : memref<128xi32, #tpu.memory_space<hbm>>) target_semaphore(%run_scoped3A : memref<!tpu.dma_semaphore, #tpu.memory_space<semaphore_mem>>)
      %dma_wait3A = tpu.memref_slice %arg3[%mul3A_2] : memref<8192xi32, #tpu.memory_space<hbm>> -> memref<128xi32, #tpu.memory_space<hbm>>
      %dma_wait3A_6 = tpu.memref_slice %arg3[%mul3A_2] : memref<8192xi32, #tpu.memory_space<hbm>> -> memref<128xi32, #tpu.memory_space<hbm>>
      tpu.wait_dma2 semaphore(%run_scoped3A : memref<!tpu.dma_semaphore, #tpu.memory_space<semaphore_mem>>) src(%arg4 : memref<128xi32, #tpu.memory_space<vmem>>) dst(%dma_wait3A_6 : memref<128xi32, #tpu.memory_space<hbm>>)
      tpu.yield
    }) : () -> ()
    %add3A_3 = arith.constant 4096 : i32
    %add3A_4 = arith.addi %add3A_3, %mul3A_2 : i32
    "tpu.region"() ({
      %run_scoped3A = tpu.sem_alloc : memref<!tpu.dma_semaphore, #tpu.memory_space<semaphore_mem>>
      %dma_start3A = tpu.memref_slice %arg3[%add3A_4] : memref<8192xi32, #tpu.memory_space<hbm>> -> memref<128xi32, #tpu.memory_space<hbm>>
      %dma_start3A_5 = tpu.memref_slice %arg3[%add3A_4] : memref<8192xi32, #tpu.memory_space<hbm>> -> memref<128xi32, #tpu.memory_space<hbm>>
      tpu.enqueue_dma source(%arg4 : memref<128xi32, #tpu.memory_space<vmem>>) target(%dma_start3A_5 : memref<128xi32, #tpu.memory_space<hbm>>) target_semaphore(%run_scoped3A : memref<!tpu.dma_semaphore, #tpu.memory_space<semaphore_mem>>)
      %dma_wait3A = tpu.memref_slice %arg3[%add3A_4] : memref<8192xi32, #tpu.memory_space<hbm>> -> memref<128xi32, #tpu.memory_space<hbm>>
      %dma_wait3A_6 = tpu.memref_slice %arg3[%add3A_4] : memref<8192xi32, #tpu.memory_space<hbm>> -> memref<128xi32, #tpu.memory_space<hbm>>
      tpu.wait_dma2 semaphore(%run_scoped3A : memref<!tpu.dma_semaphore, #tpu.memory_space<semaphore_mem>>) src(%arg4 : memref<128xi32, #tpu.memory_space<vmem>>) dst(%dma_wait3A_6 : memref<128xi32, #tpu.memory_space<hbm>>)
      tpu.yield
    }) : () -> ()
    return
  }
}

module attributes {stable_mosaic.version = 14 : i64} {
  func.func @_loss_block(%arg0: memref<4096x64xf32, #tpu.memory_space<vmem>>, %arg1: memref<1000x64xf32, #tpu.memory_space<vmem>>, %arg2: memref<1x1x4096xi32, #tpu.memory_space<vmem>>, %arg3: memref<1x1xf32, #tpu.memory_space<vmem>>) attributes {dimension_semantics = [], scalar_prefetch = 0 : i64, scratch_operands = 0 : i64, tpu.core_type = #tpu.core_type<tc>} {
    %get3A = arith.constant 0 : index
    %get3A_0 = arith.constant 0 : index
    %get3A_1 = vector.load %arg1[%get3A, %get3A_0] : memref<1000x64xf32, #tpu.memory_space<vmem>>, vector<1000x64xf32>
    %mul3A = arith.mulf %get3A_1, %get3A_1 : vector<1000x64xf32>
    %reduce_sum3A = arith.constant dense<0.000000e+00> : vector<1000xf32>
    %reduce_sum3A_2 = vector.multi_reduction <add>, %mul3A, %reduce_sum3A [1] : vector<1000x64xf32> to vector<1000xf32>
    %broadcast_in_dim3A = vector.shape_cast %reduce_sum3A_2 : vector<1000xf32> to vector<1000x1xf32>
    %sqrt3A = math.sqrt %broadcast_in_dim3A : vector<1000x1xf32>
    %add3A = arith.constant 9.99999996E-13 : f32
    %add3A_3 = vector.broadcast %add3A : f32 to vector<1000x1xf32>
    %add3A_4 = arith.addf %sqrt3A, %add3A_3 : vector<1000x1xf32>
    %div3A = arith.constant 2.000000e+01 : f32
    %div3A_5 = vector.broadcast %div3A : f32 to vector<1000x1xf32>
    %div3A_6 = arith.divf %div3A_5, %add3A_4 : vector<1000x1xf32>
    %mul3A_7 = vector.broadcast %div3A_6 : vector<1000x1xf32> to vector<1000x64xf32>
    %mul3A_8 = arith.mulf %get3A_1, %mul3A_7 : vector<1000x64xf32>
    %broadcast_in_dim3A_9 = arith.constant 0.000000e+00 : f32
    %broadcast_in_dim3A_10 = vector.broadcast %broadcast_in_dim3A_9 : f32 to vector<24x64xf32>
    %concatenate3A = tpu.concatenate %mul3A_8, %broadcast_in_dim3A_10 in 0 : vector<1000x64xf32>, vector<24x64xf32> -> vector<1024x64xf32>
    %get3A_11 = arith.constant 0 : index
    %get3A_12 = arith.constant 0 : index
    %get3A_13 = vector.load %arg0[%get3A_11, %get3A_12] : memref<4096x64xf32, #tpu.memory_space<vmem>>, vector<4096x64xf32>
    %mul3A_14 = arith.mulf %get3A_13, %get3A_13 : vector<4096x64xf32>
    %reduce_sum3A_15 = arith.constant dense<0.000000e+00> : vector<4096xf32>
    %reduce_sum3A_16 = vector.multi_reduction <add>, %mul3A_14, %reduce_sum3A_15 [1] : vector<4096x64xf32> to vector<4096xf32>
    %broadcast_in_dim3A_17 = vector.shape_cast %reduce_sum3A_16 : vector<4096xf32> to vector<4096x1xf32>
    %sqrt3A_18 = math.sqrt %broadcast_in_dim3A_17 : vector<4096x1xf32>
    %add3A_19 = arith.constant 9.99999996E-13 : f32
    %add3A_20 = vector.broadcast %add3A_19 : f32 to vector<4096x1xf32>
    %add3A_21 = arith.addf %sqrt3A_18, %add3A_20 : vector<4096x1xf32>
    %div3A_22 = vector.broadcast %add3A_21 : vector<4096x1xf32> to vector<4096x64xf32>
    %div3A_23 = arith.divf %get3A_13, %div3A_22 : vector<4096x64xf32>
    %dot_general3A = arith.constant dense<0.000000e+00> : vector<4096x1024xf32>
    %dot_general3A_24 = tpu.matmul %div3A_23, %concatenate3A, %dot_general3A {dimension_numbers = #tpu.dot_dimension_numbers<[1], [1], [0], [0], [0, 0, 1, 0], [], []>, transpose_lhs_hint = false} : vector<4096x64xf32>, vector<1024x64xf32>, vector<4096x1024xf32> -> vector<4096x1024xf32>
    %iota3A = tpu.iota {dimensions = array<i32: 1>} : vector<4096x1024xi32>
    %lt3A = arith.constant 1000 : i32
    %lt3A_25 = vector.broadcast %lt3A : i32 to vector<4096x1024xi32>
    %lt3A_26 = arith.cmpi slt, %iota3A, %lt3A_25 : vector<4096x1024xi32>
    %convert_element_type3A = arith.extui %lt3A_26 : vector<4096x1024xi1> to vector<4096x1024xi32>
    %convert_element_type3A_27 = arith.sitofp %convert_element_type3A : vector<4096x1024xi32> to vector<4096x1024xf32>
    %exp3A = math.exp %dot_general3A_24 : vector<4096x1024xf32>
    %mul3A_28 = arith.mulf %exp3A, %convert_element_type3A_27 : vector<4096x1024xf32>
    %reduce_sum3A_29 = arith.constant dense<0.000000e+00> : vector<4096xf32>
    %reduce_sum3A_30 = vector.multi_reduction <add>, %mul3A_28, %reduce_sum3A_29 [1] : vector<4096x1024xf32> to vector<4096xf32>
    %log3A = math.log %reduce_sum3A_30 : vector<4096xf32>
    %get3A_31 = arith.constant 0 : index
    %get3A_32 = arith.constant 0 : index
    %get3A_33 = arith.constant 0 : index
    %get3A_34 = vector.load %arg2[%get3A_31, %get3A_32, %get3A_33] : memref<1x1x4096xi32, #tpu.memory_space<vmem>>, vector<1x1x4096xi32>
    %get3A_35 = vector.shape_cast %get3A_34 : vector<1x1x4096xi32> to vector<4096xi32>
    %broadcast_in_dim3A_36 = vector.shape_cast %get3A_35 : vector<4096xi32> to vector<4096x1xi32>
    %eq3A = vector.broadcast %broadcast_in_dim3A_36 : vector<4096x1xi32> to vector<4096x1024xi32>
    %eq3A_37 = arith.cmpi eq, %iota3A, %eq3A : vector<4096x1024xi32>
    %jit3A = arith.constant 0.000000e+00 : f32
    %broadcast_in_dim3A_38 = vector.broadcast %jit3A : f32 to vector<4096x1024xf32>
    %select_n3A = arith.select %eq3A_37, %dot_general3A_24, %broadcast_in_dim3A_38 : vector<4096x1024xi1>, vector<4096x1024xf32>
    %reduce_sum3A_39 = arith.constant dense<0.000000e+00> : vector<4096xf32>
    %reduce_sum3A_40 = vector.multi_reduction <add>, %select_n3A, %reduce_sum3A_39 [1] : vector<4096x1024xf32> to vector<4096xf32>
    %sub3A = arith.subf %log3A, %reduce_sum3A_40 : vector<4096xf32>
    %reduce_sum3A_41 = vector.shape_cast %sub3A : vector<4096xf32> to vector<1x4096xf32>
    %reduce_sum3A_42 = arith.constant dense<0.000000e+00> : vector<1xf32>
    %reduce_sum3A_43 = vector.multi_reduction <add>, %reduce_sum3A_41, %reduce_sum3A_42 [1] : vector<1x4096xf32> to vector<1xf32>
    %reduce_sum3A_44 = vector.shape_cast %reduce_sum3A_43 : vector<1xf32> to vector<1x1xf32>
    %reduce_sum3A_45 = vector.extract %reduce_sum3A_44[0, 0] : f32 from vector<1x1xf32>
    %mul3A_46 = arith.constant 2.44140625E-4 : f32
    %mul3A_47 = arith.mulf %reduce_sum3A_45, %mul3A_46 : f32
    %reshape3A = vector.broadcast %mul3A_47 : f32 to vector<1x1xf32>
    %swap3A = arith.constant 0 : index
    %swap3A_48 = arith.constant 0 : index
    %swap3A_49 = vector.load %arg3[%swap3A, %swap3A_48] : memref<1x1xf32, #tpu.memory_space<vmem>>, vector<1x1xf32>
    tpu.vector_store %arg3[%swap3A, %swap3A_48], %reshape3A {strides = array<i32>} : memref<1x1xf32, #tpu.memory_space<vmem>>, vector<1x1xf32>,
    return
  }
}

</mosaic_0001>

<sc_bundles>
// kernel: kernel.4.cloned.1.call-start
scs
__scs_entry_jumppad:
0x0: {  	(pc) =	sbr.rel $0x88, $3  }
0x1: {  	(tag) =	ssettag $0x0;
	lr =	simm.s32 $0x1  }
0x2: {  	[smem:$0x3F9E] =	sst lr;
	_ =	strace $0xD0000000  }
0x3: {  	_ = 	snop  }
0x4: {  	_ = 	snop  }
0x5: {  	_ = 	snop  }
0x6: {  	_ = 	snop  }
0x7: {  	_ = 	snop  }
__scs_overlays_trampoline_lowered:
0x8: {  	[smem:$0x3FAD] =	sst s0  }
0x9: {  	[smem:$0x3FAE] =	sst s1  }
0xa: {  	[smem:$0x3FAF] =	sst s2  }
0xb: {  	[smem:$0x3FB0] =	sst s3  }
0xc: {  	[smem:$0x3FB1] =	sst s4  }
0xd: {  	[smem:$0x3FB2] =	sst s5  }
0xe: {  	[smem:$0x3FB3] =	sst s6  }
0xf: {  	[smem:$0x3FB4] =	sst s7  }
0x10: {  	[smem:$0x3FB5] =	sst s8  }
0x11: {  	[smem:$0x3FB6] =	sst s9;
	s0 =	simm.s32 @!p0 $0x0  }
0x12: {  	s1 =	sld [smem:$0x3F9C];
	s0 =	simm.s32 @p0 $0x1  }
0x13: {  	[smem:$0x3FB7] =	sst s0;
	s0 =	simm.s32 @!p1 $0x0  }
0x14: {  	s2 =	sld [smem:$0x3F9B];
	s0 =	simm.s32 @p1 $0x1  }
0x15: {  	[smem:$0x3FB8] =	sst s0;
	s0 =	simm.s32 @!p2 $0x0  }
0x16: {  	s3 =	sld [smem:$0x3FDB];
	s0 =	simm.s32 @p2 $0x1  }
0x17: {  	s4 =	simm.s32 $0x1BF5;
	[smem:$0x3FBA] =	sst s0  }
0x18: {  	s0 =	sld [smem:$0x3F9D];
	_ =	swait.ge [sflag:s4], $0x0  }
0x19: {  	s7 =	sld [smem:$0x3F9E]  }
0x1a: {  	s8 =	sadd.s32 $0xFFFFE003, lr  }
0x1b: {  	s9 =	sadd.s32 $0xFFFFFEF7, lr;
	s5 =	simm.s32 $0xFFFFFFFF;
	p2 =	slt.u32 s8, $0xFFFFF086  }
0x1c: {  	p1 =	slt.u32 s9, $0xF7A;
	s5 =	simm.s32 @!p2 $0x0  }
0x1d: {  	s5 =	simm.s32 @p1 $0x1;
	p0 =	seq.s32 s7, s2  }
0x1e: {  	s7 =	smul.u32 @!p0 $0xF7A, s2;
	p2 =	seq.s32 @!p0 s5, $0x0  }
0x1f: {  	s9 =	smul.u32 $0xF7A, s1;
	s8 =	simm.s32 @!p0 $0x1BF5;
	p2 =	por !p2, p0  }
0x20: {  	[sflag:s8] =	ssyncset.s32 @!p0 $0xFFFFF086;
	s6 =	sadd.s32 @!p0 s3, s7;
	s7 =	simm.s32 @!p0 $0x108  }
0x21: {  	s3 =	sadd.s32 s3, s9;
	s6 =	sadd.s32 @!p0 $0x88, s6;
	s7 =	simm.s32 @p2 $0x1082  }
0x22: {  	[simem:s7], [sflag:s8] =	dma.local @!p0 [hbm:s6], $0xF7A  }
0x23: {  	s9 =	sor.u32 $0xD0000000, s2;
	s6 =	simm.s32 $0x108;
	_ =	swait.ge @!p0 [sflag:s8], $0x0  }
0x24: {  	s3 =	sadd.s32 $0x88, s3;
	s6 =	simm.s32 @!p1 $0x1082;
	[sflag:s4] =	ssyncset.s32 $0xFFFFF086  }
0x25: {  	[simem:s6], [sflag:s4] =	dma.local [hbm:s3], $0xF7A  }
0x26: {  	[smem:$0x3F9E] =	sst s1;
	(tag) =	ssettag s2;
	_ =	strace s9  }
0x27: {  	s1 =	sld [smem:$0x3FAE]  }
0x28: {  	s2 =	sld [smem:$0x3FAF]  }
0x29: {  	s4 =	sld [smem:$0x3FB1]  }
0x2a: {  	p0 =	seq.s32 s5, $0x0;
	s5 =	sld [smem:$0x3FB2]  }
0x2b: {  	s6 =	sld [smem:$0x3FB3]  }
0x2c: {  	s7 =	sld [smem:$0x3FB4]  }
0x2d: {  	s3 =	simm.s32 $0x108;
	s8 =	sld [smem:$0x3FB5]  }
0x2e: {  	s3 =	simm.s32 @!p0 $0x1082;
	s9 =	sld [smem:$0x3FB6]  }
0x2f: {  	lr =	sadd.s32 s0, s3;
	s0 =	sld [smem:$0x3FAD]  }
0x30: {  	s3 =	sld [smem:$0x3FB0]  }
0x31: {  	[smem:$0x3FB9] =	sst s10  }
0x32: {  	s10 =	sld [smem:$0x3FB7];
	_ =	sdelay $0x3  }
0x33: {  	p0 =	seq.s32 s10, $0x1;
	s10 =	sld [smem:$0x3FB9];
	_ =	sdelay $0x3  }
0x34: {  	[smem:$0x3FB9] =	sst s10  }
0x35: {  	s10 =	sld [smem:$0x3FB8];
	_ =	sdelay $0x3  }
0x36: {  	p1 =	seq.s32 s10, $0x1;
	s10 =	sld [smem:$0x3FB9];
	_ =	sdelay $0x3  }
0x37: {  	[smem:$0x3FB9] =	sst s10  }
0x38: {  	s10 =	sld [smem:$0x3FBA]  }
0x39: {  	_ = 	snop;
	(pc) =	sbr.ind lr, $3  }
0x3a: {  	_ = 	snop  }
0x3b: {  	_ = 	snop  }
0x3c: {  	p2 =	seq.s32 s10, $0x1;
	s10 =	sld [smem:$0x3FB9]  }
0x3d: {  	_ =	shalt  }
0x3e: {  	_ =	shalt  }
0x3f: {  	_ =	shalt  }
0x40: {  	_ =	shalt  }
0x41: {  	_ =	shalt  }
0x42: {  	_ =	shalt  }
0x43: {  	_ =	shalt  }
0x44: {  	_ =	shalt  }
0x45: {  	_ =	shalt  }
0x46: {  	_ =	shalt  }
0x47: {  	_ =	shalt  }
0x48: {  	_ =	shalt  }
0x49: {  	_ =	shalt  }
0x4a: {  	_ =	shalt  }
0x4b: {  	_ =	shalt  }
0x4c: {  	_ =	shalt  }
0x4d: {  	_ =	shalt  }
0x4e: {  	_ =	shalt  }
0x4f: {  	_ =	shalt  }
0x50: {  	_ =	shalt  }
0x51: {  	_ =	shalt  }
0x52: {  	_ =	shalt  }
0x53: {  	_ =	shalt  }
0x54: {  	_ =	shalt  }
0x55: {  	_ =	shalt  }
0x56: {  	_ =	shalt  }
0x57: {  	_ =	shalt  }
0x58: {  	_ =	shalt  }
0x59: {  	_ =	shalt  }
0x5a: {  	_ =	shalt  }
0x5b: {  	_ =	shalt  }
0x5c: {  	_ =	shalt  }
0x5d: {  	_ =	shalt  }
0x5e: {  	_ =	shalt  }
0x5f: {  	_ =	shalt  }
0x60: {  	_ =	shalt  }
0x61: {  	_ =	shalt  }
0x62: {  	_ =	shalt  }
0x63: {  	_ =	shalt  }
0x64: {  	_ =	shalt  }
0x65: {  	_ =	shalt  }
0x66: {  	_ =	shalt  }
0x67: {  	_ =	shalt  }
0x68: {  	_ =	shalt  }
0x69: {  	_ =	shalt  }
0x6a: {  	_ =	shalt  }
0x6b: {  	_ =	shalt  }
0x6c: {  	_ =	shalt  }
0x6d: {  	_ =	shalt  }
0x6e: {  	_ =	shalt  }
0x6f: {  	_ =	shalt  }
0x70: {  	_ =	shalt  }
0x71: {  	_ =	shalt  }
0x72: {  	_ =	shalt  }
0x73: {  	_ =	shalt  }
0x74: {  	_ =	shalt  }
0x75: {  	_ =	shalt  }
0x76: {  	_ =	shalt  }
0x77: {  	_ =	shalt  }
0x78: {  	_ =	shalt  }
0x79: {  	_ =	shalt  }
0x7a: {  	_ =	shalt  }
0x7b: {  	_ =	shalt  }
0x7c: {  	_ =	shalt  }
0x7d: {  	_ =	shalt  }
0x7e: {  	_ =	shalt  }
0x7f: {  	_ =	shalt  }
0x80: {  	_ =	shalt  }
0x81: {  	_ =	shalt  }
0x82: {  	_ =	shalt  }
0x83: {  	_ =	shalt  }
0x84: {  	_ =	shalt  }
0x85: {  	_ =	shalt  }
0x86: {  	_ =	shalt  }
0x87: {  	_ =	shalt  }
.Lfunc_end0:
.L_simem_size_0:
called_computation_lowered:
.L_overlay_start_0:
0x88: {  	s2 =	sld [smem:$0x3FD9]  }
0x89: {  	s3 =	sld [smem:$0x3FFE];
	_ =	sdelay $0x1  }
0x8a: {  	s1 =	srdreg.scid  }
0x8b: {  	s0 =	sand.u32 $0x1, s1  }
0x8c: {  	s15 =	sshll.u32 s0, $0xA;
	s2 =	sadd.s32 s3, s2  }
0x8d: {  	s2 =	sadd.s32 s2, s15  }
0x8e: {  	[smem:$0x3FC5] =	sst s2  }
0x8f: {  	_ = 	snop  }
0x90: {  	s2 =	sld [smem:$0x3FD0];
	_ =	sdelay $0x2  }
0x91: {  	s4 =	simm.s32 $0xA;
	s5 =	simm.s32 $0x10;
	s16 =	sld [smem:$0x3FC8]  }
0x92: {  	[smem:s5], [sflag:s4] =	dma.local [hbm:s2], $0x1  }
0x93: {  	_ =	swait.eq [sflag:s4], $0x1  }
0x94: {  	[sflag:s4] =	ssyncset.done $0x0  }
0x95: {  	[sflag:s4] =	ssyncadd.s32 $0xFFFFFFFF  }
0x96: {  	s17 =	sld [smem:$0x11];
	(tm) =	ssettm $0x1  }
0x97: {  	s18 =	sld [smem:$0x3FFB];
	_ =	sdelay $0x3  }
0x98: {  	_ =	strace s18  }
0x99: {  	s4 =	sld [smem:$0x3FFC];
	_ =	sdelay $0x3  }
0x9a: {  	_ =	strace s4  }
0x9b: {  	s4 =	sld [smem:$0x3FFD];
	_ =	sdelay $0x3  }
0x9c: {  	_ =	strace s4  }
0x9d: {  	_ =	strace $0x8FFFFFFF  }
0x9e: {  	s19 =	sld [smem:$0x3FDB];
	_ =	sdelay $0x1  }
0x9f: {  	s20 =	simm.s32 $_scs_section_size  }
0xa0: {  	s6 =	simm.s32 $_size__tile_overlayer_lowered;
	s7 =	simm.s32 $_tile_overlayer_lowered  }
0xa1: {  	s23 =	simm.s32 $0x1BFF;
	s22 =	sshll.u32 s7, $0x1;
	s4 =	sadd.s32 s20, s19  }
0xa2: {  	s8 =	simm.s32 $0x0;
	s21 =	sshll.u32 s6, $0x1;
	s6 =	sadd.s32 s22, s4  }
0xa3: {  	[timem:s8], [sflag:s23] =	dma.local [hbm:s6], s21  }
0xa4: {  	_ =	swait.ge [sflag:s23], s21  }
0xa5: {  	s5 =	ssub.s32 $0x0, s21;
	[sflag:s23] =	ssyncset.done $0x0  }
0xa6: {  	[sflag:s23] =	ssyncadd.s32 s5;
	_ =	sdelay $0x1  }
0xa7: {  	s24 =	simm.s32 $0x1B8B  }
0xa8: {  	_ =	swait.ge [sflag:s24], $0x1  }
0xa9: {  	[sflag:s24] =	ssyncset.done $0x0  }
0xaa: {  	s25 =	simm.s32 $0x1B8E;
	[sflag:s24] =	ssyncadd.s32 $0xFFFFFFFF  }
0xab: {  	s26 =	simm.s32 $execute0_lowered;
	[smem:$0x3FD2] =	sst s25  }
0xac: {  	s5 =	sshll.u32 s26, $0x1;
	_ =	strace $0x80000046;
	[dreg:$0x1] =	wrdreg $0xFFFFFFFF  }
0xad: {  	s28 =	simm.s32 $_size_execute0_lowered;
	s4 =	sadd.s32 s4, s5;
	[dreg:$0x0] =	wrdreg $0x0  }
0xae: {  	s5 =	sshll.u32 s28, $0x1;
	[dreg:$0x2] =	wrdreg s4  }
0xaf: {  	[dreg:$0x3] =	wrdreg s5  }
0xb0: {  	[dreg:$0x4] =	wrdreg $0xC0  }
0xb1: {  	_ =	task [dreg:s8], $0x5FFFF  }
0xb2: {  	[dreg:$0x1] =	wrdreg $0xFFFFFFFF  }
0xb3: {  	[dreg:$0x0] =	wrdreg $0x60  }
0xb4: {  	[dreg:$0x2] =	wrdreg s16  }
0xb5: {  	[dreg:$0x3] =	wrdreg s17  }
0xb6: {  	[dreg:$0x4] =	wrdreg $0x9  }
0xb7: {  	_ =	task.clear_ibuf [dreg:s8], $0x5FFFF;
	_ =	strace $0x90000046  }
0xb8: {  	s29 =	simm.s32 $0x9;
	_ =	strace $0x80000048  }
0xb9: {  	_ =	swait.ge [sflag:s29], $0x1  }
0xba: {  	[sflag:s29] =	ssyncadd.s32 $0xFFFFFFFF  }
0xbb: {  	_ =	strace $0x90000048  }
0xbc: {  	_ =	sfence  }
0xbd: {  	s30 =	sld [smem:$0x0];
	_ =	sdelay $0x2  }
0xbe: {  	s31 =	sshll.u32 s1, $0xD;
	s1 =	sshrl.u32 s1, $0x2  }
0xbf: {  	s3 =	sand.u32 $0x4000, s31;
	s1 =	sadd.s32 s1, s30  }
0xc0: {  	s0 =	sor.u32 s3, s0;
	s1 =	sshll.u32 s1, $0x11  }
0xc1: {  	s0 =	sor.u32 s1, s0  }
0xc2: {  	s0 =	sadd.s32 $0x8F2B, s0  }
0xc3: {  	[sflag:s0] =	ssyncadd.remote.s32 $0x1  }
0xc4: {  	_ =	sfence.sel $0xFFFF  }
0xc5: {  	[dreg:$0x0] =	wrdreg $0xFFFFFFFF;
	(pc) =	sbr.abs _section_cstart, $3  }
0xc6: {  	[dreg:$0x1] =	wrdreg $0xFFFFFFFF  }
0xc7: {  	_ =	task.clear_ibuf [dreg:s8], $0x2FFFF;
	_ =	strace $0x9FFFFFFF  }
0xc8: {  	(tm) =	ssettm $0x7FFFFFFF  }
0xc9: {  	_ =	shalt  }
tec
execute0_lowered:
.L_overlay_start_1:
0x0: {  	(tag) =	ssettag $0x1  }
0x1: {  	s3 =	rddreg [dreg:$0x0]  }
0x2: {  	s5 =	rddreg [dreg:$0x1];
	s2 =	srdreg.scid  }
0x3: {  	s0 =	rddreg [dreg:$0x2];
	s1 =	stileid.u32;
	s6 =	sand.u32 $0x1, s2  }
0x4: {  	s2 =	simm.s32 $0x0;
	s4 =	sshll.u32 s1, $0x5;
	s7 =	sshll.u32 s6, $0x4  }
0x5: {  	[smem:$0x7FF] =	sst s2;
	s6 =	ssub.s32 $0x2, s6;
	s7 =	sor.u32 s7, s4  }
0x6: {  	_ =	strace $0x80000047;
	s4 =	sadd.s32 s3, s7;
	s3 =	simm.s32 $0x1  }
0x7: {  	[tilespmem:s2], [sflag:$0x1] =	stream.linear.gather [hbm4b:s4+s2], $0x80, $0x38;
	[tilespmem:$0x80] =	vst v63  }
0x8: {  	s31 =	sshrl.u32 s6, $0x1;
	_ =	swait.ge [sflag:s3], $0x80  }
0x9: {  	s5 =	sadd.s32 s5, s7;
	s7 =	ssub.s32 s6, s31;
	[sflag:s3] =	ssyncset.done $0x0  }
0xa: {  	s7 =	smax.u32 s7, $0x1;
	[sflag:s3] =	ssyncadd.s32 $0xFFFFFF80  }
0xb: {  	[hbm4b:s5+s2] =	stream.linear.scatter [tilespmem:s2], [sflag:$0x1], $0x80, $0x38;
	[tilespmem:$0x80] =	vst v63  }
0xc: {  	p0 =	sne.s32 s7, $0x1;
	_ =	swait.ge [sflag:s3], $0x80  }
.Ltmp0:
0xd: {  	[sflag:s3] =	ssyncset.done $0x0;
	(pc) =	sbr.rel @!p0 .LBB2_2-.Ltmp0, $4  }
0xe: {  	s6 =	sadd.s32 $0x200, s5;
	[sflag:s3] =	ssyncadd.s32 $0xFFFFFF80  }
0xf: {  	[hbm4b:s6+s2] =	stream.linear.scatter [tilespmem:s2], [sflag:$0x1], $0x80, $0x38;
	[tilespmem:$0x80] =	vst v63  }
0x10: {  	_ =	swait.ge [sflag:s3], $0x80  }
0x11: {  	s7 =	sadd.s32 $0xFFFFFFFF, s7;
	[sflag:s3] =	ssyncset.done $0x0  }
.LBB2_1:
0x12: {  	p0 =	sne.s32 s7, $0x1;
	s7 =	sadd.s32 $0xFFFFFFFF, s7;
	[sflag:s3] =	ssyncadd.s32 $0xFFFFFF80  }
0x13: {  	[tilespmem:s2], [sflag:$0x1] =	stream.linear.gather [hbm4b:s4+s2], $0x80, $0x38;
	[tilespmem:$0x80] =	vst v63  }
0x14: {  	_ =	swait.ge [sflag:s3], $0x80  }
0x15: {  	[sflag:s3] =	ssyncset.done $0x0  }
0x16: {  	[sflag:s3] =	ssyncadd.s32 $0xFFFFFF80  }
0x17: {  	[hbm4b:s5+s2] =	stream.linear.scatter [tilespmem:s2], [sflag:$0x1], $0x80, $0x38;
	[tilespmem:$0x80] =	vst v63  }
0x18: {  	_ =	swait.ge [sflag:s3], $0x80  }
.Ltmp1:
0x19: {  	[sflag:s3] =	ssyncset.done $0x0;
	(pc) =	sbr.rel @p0 .LBB2_1-.Ltmp1, $4  }
0x1a: {  	[sflag:s3] =	ssyncadd.s32 $0xFFFFFF80  }
0x1b: {  	[hbm4b:s6+s2] =	stream.linear.scatter [tilespmem:s2], [sflag:$0x1], $0x80, $0x38;
	[tilespmem:$0x80] =	vst v63  }
0x1c: {  	_ =	swait.ge [sflag:s3], $0x80  }
0x1d: {  	[sflag:s3] =	ssyncset.done $0x0  }
.LBB2_2:
0x1e: {  	[sflag:s3] =	ssyncadd.s32 $0xFFFFFF80  }
0x1f: {  	_ =	sfence.sel $0x180000  }
0x20: {  	[bflag:$0x0] =	sbarrier.arrive $0xFFFF  }
0x21: {  	p0 =	sne.s32 s1, $0x0;
	_ =	strace $0x90000047  }
0x22: {  	s0 =	sadd.s32 @!p0 $0x100000, s0;
	[bflag:$0x2] =	sbarrier.arrive $0xFFFF  }
0x23: {  	[sflag:s0] =	ssyncadd.tile.s32 @!p0 $0x1;
	_ =	shalt  }
.Lfunc_end2:
_tile_overlayer_lowered:
.L_overlay_start_2:
0x24: {  	(tag) =	ssettag $0x2  }
0x25: {  	s0 =	rddreg [dreg:$0x0];
	s2 =	stileid.u32  }
0x26: {  	s1 =	rddreg [dreg:$0x1];
	p0 =	sne.s32 s2, $0x0  }
0x27: {  	s3 =	rddreg [dreg:$0x2];
	[bflag:$0x3] =	sbarrier.arrive $0xFFFF;
	s2 =	simm.s32 @!p0 $0x1C01  }
0x28: {  	[timem:s3], [sflag:s2] =	dma.local @!p0 [hbm:s0], s1  }
0x29: {  	s0 =	simm.s32 @!p0 $0x1  }
0x2a: {  	_ =	swait.ge @!p0 [sflag:s0], s1  }
0x2b: {  	s1 =	ssub.s32 @!p0 $0x0, s1;
	[sflag:s0] =	ssyncset.done @!p0 $0x0  }
0x2c: {  	[sflag:s0] =	ssyncadd.s32 @!p0 s1  }
0x2d: {  	[bflag:$0x3] =	sbarrier.arrive $0xFFFF  }
0x2e: {  	_ =	shalt  }

</sc_bundles>
